<compile_context>
chip_gen: v7x
topology: tpu7x:2x2x1
jax: 0.10.2.dev20260603
libtpu: 0.0.44.dev20260713+nightly
codegen_flags: <defaults>
</compile_context>

<pallas_src>
import functools

import jax
import jax.numpy as jnp
from jax import lax
from jax.experimental import pallas as pl
from jax.experimental.pallas import tpu as pltpu
from jax.experimental.pallas import tpu_sc as plsc

_N = 100000
_H = 128

_NC, _NS = 2, 16
_NW = _NC * _NS
_BPW = 6400
_CH = 128
_NCHUNK = _BPW // _CH
_NBUF = 5
_NGRP = _NCHUNK // _NBUF
_BPAD = _NW * _BPW


@functools.cache
def _make_gather_rows():
    sc_mesh = plsc.VectorSubcoreMesh(
        core_axis_name="c", subcore_axis_name="s", num_cores=_NC, num_subcores=_NS
    )

    @functools.partial(
        pl.kernel,
        out_type=jax.ShapeDtypeStruct((_BPAD, _H), jnp.float32),
        mesh=sc_mesh,
        scratch_types=[
            pltpu.VMEM((_BPW,), jnp.int32),
            *([pltpu.VMEM((_CH, _H), jnp.float32)] * _NBUF),
            *([pltpu.SemaphoreType.DMA] * (2 * _NBUF)),
        ],
    )
    def gather_rows(h_hbm, idx_hbm, out_hbm, idx_v, *scr):
        bufs = scr[:_NBUF]
        gsem = scr[_NBUF:2 * _NBUF]
        ssem = scr[2 * _NBUF:]
        wid = lax.axis_index("s") * _NC + lax.axis_index("c")
        base = wid * _BPW
        pltpu.sync_copy(idx_hbm.at[pl.ds(base, _BPW)], idx_v)

        def gather(c, b):
            return pltpu.make_async_copy(
                h_hbm.at[idx_v.at[pl.ds(c * _CH, _CH)]], bufs[b], gsem[b])

        def scatter(c, b):
            return pltpu.make_async_copy(
                bufs[b], out_hbm.at[pl.ds(base + c * _CH, _CH)], ssem[b])

        for b in range(_NBUF):
            gather(b, b).start()

        def group(g, carry):
            for b in range(_NBUF):
                c = g * _NBUF + b
                gather(c, b).wait()
                scatter(c, b).start()
            for b in range(_NBUF):
                c = g * _NBUF + b

                @pl.when(g + 1 < _NGRP)
                def _():
                    scatter(c, b).wait()
                    gather(c + _NBUF, b).start()

            return carry

        lax.fori_loop(0, _NGRP, group, 0)
        for b in range(_NBUF):
            scatter((_NGRP - 1) * _NBUF + b, b).wait()

    return gather_rows


_BLK = 4000
_GRID = _N // _BLK
_C1_OFF = _N // _BLK

_DN = (((1,), (1,)), ((), ()))


def _dense_body(x_ref, hc0_ref, hc1_ref, w_ref, u0_ref, u1_ref, b_ref,
                u20_ref, u21_ref, out_ref):
    f32 = jnp.float32
    hc0 = hc0_ref[...]
    hc1 = hc1_ref[...]
    uo = lax.dot_general(x_ref[...], w_ref[...], _DN, preferred_element_type=f32)
    uo += lax.dot_general(hc0, u0_ref[...], _DN, preferred_element_type=f32)
    uo += lax.dot_general(hc1, u1_ref[...], _DN, preferred_element_type=f32)
    uo += b_ref[...]
    u = jax.nn.sigmoid(uo[:, :_H])
    o = jnp.tanh(uo[:, _H:])
    h_agg = lax.dot_general(hc0, u20_ref[...], _DN, preferred_element_type=f32)
    h_agg += lax.dot_general(hc1, u21_ref[...], _DN, preferred_element_type=f32)
    out_ref[...] = o * u + (1.0 - u) * h_agg


def _dense(x, gathered, w_uo, u0, u1, b_uo, u20, u21):
    full = lambda shape: pl.BlockSpec(shape, lambda i: (0, 0))
    return pl.pallas_call(
        _dense_body,
        grid=(_GRID,),
        in_specs=[
            pl.BlockSpec((_BLK, _H), lambda i: (i, 0)),
            pl.BlockSpec((_BLK, _H), lambda i: (i, 0)),
            pl.BlockSpec((_BLK, _H), lambda i: (i + _C1_OFF, 0)),
            full((2 * _H, _H)),
            full((2 * _H, _H)),
            full((2 * _H, _H)),
            full((1, 2 * _H)),
            full((_H, _H)),
            full((_H, _H)),
        ],
        out_specs=pl.BlockSpec((_BLK, _H), lambda i: (i, 0)),
        out_shape=jax.ShapeDtypeStruct((_N, _H), jnp.float32),
    )(x, gathered, gathered, w_uo, u0, u1, b_uo, u20, u21)


def kernel(x, h, child_idx, W_ruo, U_ruo, b_ruo, U_u2):
    pad = jnp.arange(_BPAD - 2 * _N, dtype=jnp.int32) * 17 % _N
    idx = jnp.concatenate([child_idx[:, 0], child_idx[:, 1], pad])
    gathered = _make_gather_rows()(h, idx)
    return _dense(x, gathered,
                  W_ruo[_H:],
                  U_ruo[_H:, :_H],
                  U_ruo[_H:, _H:],
                  b_ruo[:, _H:],
                  U_u2[:, :_H],
                  U_u2[:, _H:])

# --- scband reference (transcript-rebuilt; emitter-appended) ---
"""Pipeline reference for scband-nary-tree-grucell-16441134809400 (READ-ONLY COPY).

The authoritative reference and input builder live on the scoring server;
editing this copy changes nothing except your own understanding.
"""

import jax, jax.numpy as jnp
import numpy as np

N = 100000
N_ARY = 2
X_SIZE = 128
H_SIZE = 128


def setup_inputs(seed: int = 0) -> dict:
    key = jax.random.key(seed)
    ks = jax.random.split(key, 8)
    x = jax.random.normal(ks[0], (N, X_SIZE), dtype=jnp.float32)
    h = jax.random.normal(ks[1], (N, H_SIZE), dtype=jnp.float32)
    child_idx = jax.random.randint(ks[2], (N, N_ARY), 0, N, dtype=jnp.int32)
    # learned parameters (torch.nn.Linear stores weight as [out, in])
    W_ruo = jax.random.normal(ks[3], (3 * H_SIZE, X_SIZE), dtype=jnp.float32) * (1.0 / np.sqrt(X_SIZE))
    U_ruo = jax.random.normal(ks[4], (3 * H_SIZE, N_ARY * H_SIZE), dtype=jnp.float32) * (1.0 / np.sqrt(N_ARY * H_SIZE))
    b_ruo = jnp.zeros((1, 3 * H_SIZE), dtype=jnp.float32)
    U_u2 = jax.random.normal(ks[5], (H_SIZE, N_ARY * H_SIZE), dtype=jnp.float32) * (1.0 / np.sqrt(N_ARY * H_SIZE))
    return {"x": x, "h": h, "child_idx": child_idx, "W_ruo": W_ruo, "U_ruo": U_ruo, "b_ruo": b_ruo, "U_u2": U_u2}


def reference(x, h, child_idx, W_ruo, U_ruo, b_ruo, U_u2):
    # message_func + reduce_func: gather children hidden states into a padded mailbox.
    # Here every node has exactly n_ary children (full mailbox -> zero padding width).
    h_child = jnp.take(h, child_idx, axis=0)            # [N, n_ary, h_size]
    h_cat = h_child.reshape(h_child.shape[0], -1)        # [N, n_ary*h_size]
    # nodes.data['ruo'] is W_ruo(x) (the input-side projection, set before message passing),
    # reduce_func adds U_ruo(h_cat); apply_node_func adds bias b_ruo.
    ruo = x @ W_ruo.T + h_cat @ U_ruo.T + b_ruo          # [N, 3*h_size]
    r, u, o = jnp.split(ruo, 3, axis=1)
    r = jax.nn.sigmoid(r)
    u = jax.nn.sigmoid(u)
    o = jnp.tanh(o)
    h_agg = h_cat @ U_u2.T                               # reduce_func's 'h' = U_u2(h_cat)
    u_2 = (1.0 - u) * h_agg
    h_new = o * u + u_2
    return h_new

if __name__ == "__main__":
    import jax
    _d = setup_inputs()
    print(jax.jit(kernel)(*tuple(_d.values())))

</pallas_src>

<mosaic_0001>
#map = affine_map<(d0, d1) -> (0, 0)>
#map1 = affine_map<(d0, d1) -> (0)>
module attributes {stable_mosaic.version = 14 : i64} {
  func.func @gather_rows(%arg0: i32, %arg1: i32, %arg2: memref<100000x128xf32, #tpu.memory_space<hbm>>, %arg3: memref<204800xi32, #tpu.memory_space<hbm>>, %arg4: memref<204800x128xf32, #tpu.memory_space<hbm>>, %arg5: memref<6400xi32, #tpu.memory_space<vmem>>, %arg6: memref<128x128xf32, #tpu.memory_space<vmem>>, %arg7: memref<128x128xf32, #tpu.memory_space<vmem>>, %arg8: memref<128x128xf32, #tpu.memory_space<vmem>>, %arg9: memref<128x128xf32, #tpu.memory_space<vmem>>, %arg10: memref<128x128xf32, #tpu.memory_space<vmem>>, %arg11: memref<!tpu.dma_semaphore, #tpu.memory_space<semaphore_mem>>, %arg12: memref<!tpu.dma_semaphore, #tpu.memory_space<semaphore_mem>>, %arg13: memref<!tpu.dma_semaphore, #tpu.memory_space<semaphore_mem>>, %arg14: memref<!tpu.dma_semaphore, #tpu.memory_space<semaphore_mem>>, %arg15: memref<!tpu.dma_semaphore, #tpu.memory_space<semaphore_mem>>, %arg16: memref<!tpu.dma_semaphore, #tpu.memory_space<semaphore_mem>>, %arg17: memref<!tpu.dma_semaphore, #tpu.memory_space<semaphore_mem>>, %arg18: memref<!tpu.dma_semaphore, #tpu.memory_space<semaphore_mem>>, %arg19: memref<!tpu.dma_semaphore, #tpu.memory_space<semaphore_mem>>, %arg20: memref<!tpu.dma_semaphore, #tpu.memory_space<semaphore_mem>>) attributes {dimension_semantics = [#tpu.dimension_semantics<core_parallel>, #tpu.dimension_semantics<subcore_parallel>], iteration_bounds = array<i64: 2, 16>, scalar_prefetch = 0 : i64, scratch_operands = 16 : i64, tpu.core_type = #tpu.core_type<sc_vector_subcore>, window_params = [{transform_indices = #map}, {transform_indices = #map1}, {transform_indices = #map}]} {
    %mul3A = arith.constant 2 : i32
    %mul3A_0 = arith.muli %arg1, %mul3A : i32
    %add3A = arith.addi %mul3A_0, %arg0 : i32
    %mul3A_1 = arith.constant 6400 : i32
    %mul3A_2 = arith.muli %add3A, %mul3A_1 : i32
    "tpu.region"() ({
      %run_scoped3A = tpu.sem_alloc : memref<!tpu.dma_semaphore, #tpu.memory_space<semaphore_mem>>
      %dma_start3A_61 = tpu.memref_slice %arg3[%mul3A_2] : memref<204800xi32, #tpu.memory_space<hbm>> -> memref<6400xi32, #tpu.memory_space<hbm>>
      %dma_start3A_62 = tpu.memref_slice %arg3[%mul3A_2] : memref<204800xi32, #tpu.memory_space<hbm>> -> memref<6400xi32, #tpu.memory_space<hbm>>
      tpu.enqueue_dma source(%dma_start3A_62 : memref<6400xi32, #tpu.memory_space<hbm>>) target(%arg5 : memref<6400xi32, #tpu.memory_space<vmem>>) target_semaphore(%run_scoped3A : memref<!tpu.dma_semaphore, #tpu.memory_space<semaphore_mem>>)
      %dma_wait3A_63 = tpu.memref_slice %arg3[%mul3A_2] : memref<204800xi32, #tpu.memory_space<hbm>> -> memref<6400xi32, #tpu.memory_space<hbm>>
      %dma_wait3A_64 = tpu.memref_slice %arg3[%mul3A_2] : memref<204800xi32, #tpu.memory_space<hbm>> -> memref<6400xi32, #tpu.memory_space<hbm>>
      tpu.wait_dma2 semaphore(%run_scoped3A : memref<!tpu.dma_semaphore, #tpu.memory_space<semaphore_mem>>) src(%dma_wait3A_64 : memref<6400xi32, #tpu.memory_space<hbm>>) dst(%arg5 : memref<6400xi32, #tpu.memory_space<vmem>>)
      tpu.yield
    }) : () -> ()
    %dma_start3A = arith.constant 0 : i32
    %dma_start3A_3 = tpu.memref_slice %arg5[%dma_start3A] : memref<6400xi32, #tpu.memory_space<vmem>> -> memref<128xi32, #tpu.memory_space<vmem>>
    %dma_start3A_4 = arith.constant 0 : i32
    %dma_start3A_5 = arith.constant 0 : i32
    %dma_start3A_6 = tpu.memref_slice %arg2[%dma_start3A_4, %dma_start3A_5] : memref<100000x128xf32, #tpu.memory_space<hbm>> -> memref<100000x128xf32, #tpu.memory_space<hbm>>
    tpu.enqueue_indirect_dma source(%dma_start3A_6 : memref<100000x128xf32, #tpu.memory_space<hbm>>) target(%arg6 : memref<128x128xf32, #tpu.memory_space<vmem>>) offsets(%dma_start3A_3 : memref<128xi32, #tpu.memory_space<vmem>>) semaphore(%arg11 : memref<!tpu.dma_semaphore, #tpu.memory_space<semaphore_mem>>)
    %dma_start3A_7 = arith.constant 128 : i32
    %dma_start3A_8 = tpu.memref_slice %arg5[%dma_start3A_7] : memref<6400xi32, #tpu.memory_space<vmem>> -> memref<128xi32, #tpu.memory_space<vmem>>
    %dma_start3A_9 = arith.constant 0 : i32
    %dma_start3A_10 = arith.constant 0 : i32
    %dma_start3A_11 = tpu.memref_slice %arg2[%dma_start3A_9, %dma_start3A_10] : memref<100000x128xf32, #tpu.memory_space<hbm>> -> memref<100000x128xf32, #tpu.memory_space<hbm>>
    tpu.enqueue_indirect_dma source(%dma_start3A_11 : memref<100000x128xf32, #tpu.memory_space<hbm>>) target(%arg7 : memref<128x128xf32, #tpu.memory_space<vmem>>) offsets(%dma_start3A_8 : memref<128xi32, #tpu.memory_space<vmem>>) semaphore(%arg12 : memref<!tpu.dma_semaphore, #tpu.memory_space<semaphore_mem>>)
    %dma_start3A_12 = arith.constant 256 : i32
    %dma_start3A_13 = tpu.memref_slice %arg5[%dma_start3A_12] : memref<6400xi32, #tpu.memory_space<vmem>> -> memref<128xi32, #tpu.memory_space<vmem>>
    %dma_start3A_14 = arith.constant 0 : i32
    %dma_start3A_15 = arith.constant 0 : i32
    %dma_start3A_16 = tpu.memref_slice %arg2[%dma_start3A_14, %dma_start3A_15] : memref<100000x128xf32, #tpu.memory_space<hbm>> -> memref<100000x128xf32, #tpu.memory_space<hbm>>
    tpu.enqueue_indirect_dma source(%dma_start3A_16 : memref<100000x128xf32, #tpu.memory_space<hbm>>) target(%arg8 : memref<128x128xf32, #tpu.memory_space<vmem>>) offsets(%dma_start3A_13 : memref<128xi32, #tpu.memory_space<vmem>>) semaphore(%arg13 : memref<!tpu.dma_semaphore, #tpu.memory_space<semaphore_mem>>)
    %dma_start3A_17 = arith.constant 384 : i32
    %dma_start3A_18 = tpu.memref_slice %arg5[%dma_start3A_17] : memref<6400xi32, #tpu.memory_space<vmem>> -> memref<128xi32, #tpu.memory_space<vmem>>
    %dma_start3A_19 = arith.constant 0 : i32
    %dma_start3A_20 = arith.constant 0 : i32
    %dma_start3A_21 = tpu.memref_slice %arg2[%dma_start3A_19, %dma_start3A_20] : memref<100000x128xf32, #tpu.memory_space<hbm>> -> memref<100000x128xf32, #tpu.memory_space<hbm>>
    tpu.enqueue_indirect_dma source(%dma_start3A_21 : memref<100000x128xf32, #tpu.memory_space<hbm>>) target(%arg9 : memref<128x128xf32, #tpu.memory_space<vmem>>) offsets(%dma_start3A_18 : memref<128xi32, #tpu.memory_space<vmem>>) semaphore(%arg14 : memref<!tpu.dma_semaphore, #tpu.memory_space<semaphore_mem>>)
    %dma_start3A_22 = arith.constant 512 : i32
    %dma_start3A_23 = tpu.memref_slice %arg5[%dma_start3A_22] : memref<6400xi32, #tpu.memory_space<vmem>> -> memref<128xi32, #tpu.memory_space<vmem>>
    %dma_start3A_24 = arith.constant 0 : i32
    %dma_start3A_25 = arith.constant 0 : i32
    %dma_start3A_26 = tpu.memref_slice %arg2[%dma_start3A_24, %dma_start3A_25] : memref<100000x128xf32, #tpu.memory_space<hbm>> -> memref<100000x128xf32, #tpu.memory_space<hbm>>
    tpu.enqueue_indirect_dma source(%dma_start3A_26 : memref<100000x128xf32, #tpu.memory_space<hbm>>) target(%arg10 : memref<128x128xf32, #tpu.memory_space<vmem>>) offsets(%dma_start3A_23 : memref<128xi32, #tpu.memory_space<vmem>>) semaphore(%arg15 : memref<!tpu.dma_semaphore, #tpu.memory_space<semaphore_mem>>)
    %scan3A = arith.constant 0 : i32
    %scan3A_27 = arith.constant 0 : i32
    %scan3A_28 = arith.constant 10 : i32
    %scan3A_29 = arith.addi %scan3A_27, %scan3A_28 : i32
    %scan3A_30 = arith.constant 1 : i32
    scf.for %scan3A_61 = %scan3A_27 to %scan3A_29 step %scan3A_30  : i32 {
      %mul3A_62 = arith.constant 5 : i32
      %mul3A_63 = arith.muli %scan3A_61, %mul3A_62 : i32
      %add3A_64 = arith.constant 0 : i32
      %add3A_65 = arith.addi %mul3A_63, %add3A_64 : i32
      %mul3A_66 = arith.constant 128 : i32
      %mul3A_67 = arith.muli %add3A_65, %mul3A_66 : i32
      %dma_wait3A_68 = tpu.memref_slice %arg5[%mul3A_67] : memref<6400xi32, #tpu.memory_space<vmem>> -> memref<128xi32, #tpu.memory_space<vmem>>
      %dma_wait3A_69 = arith.constant 0 : i32
      %dma_wait3A_70 = arith.constant 0 : i32
      %dma_wait3A_71 = tpu.memref_slice %arg2[%dma_wait3A_69, %dma_wait3A_70] : memref<100000x128xf32, #tpu.memory_space<hbm>> -> memref<100000x128xf32, #tpu.memory_space<hbm>>
      tpu.wait_indirect_dma semaphore(%arg11 : memref<!tpu.dma_semaphore, #tpu.memory_space<semaphore_mem>>) src(%dma_wait3A_71 : memref<100000x128xf32, #tpu.memory_space<hbm>>) dst(%arg6 : memref<128x128xf32, #tpu.memory_space<vmem>>)
      %mul3A_72 = arith.constant 128 : i32
      %mul3A_73 = arith.muli %add3A_65, %mul3A_72 : i32
      %add3A_74 = arith.addi %mul3A_2, %mul3A_73 : i32
      %dma_start3A_75 = arith.constant 0 : i32
      %dma_start3A_76 = tpu.memref_slice %arg4[%add3A_74, %dma_start3A_75] : memref<204800x128xf32, #tpu.memory_space<hbm>> -> memref<128x128xf32, #tpu.memory_space<hbm>>
      %dma_start3A_77 = arith.constant 0 : i32
      %dma_start3A_78 = tpu.memref_slice %arg4[%add3A_74, %dma_start3A_77] : memref<204800x128xf32, #tpu.memory_space<hbm>> -> memref<128x128xf32, #tpu.memory_space<hbm>>
      tpu.enqueue_dma source(%arg6 : memref<128x128xf32, #tpu.memory_space<vmem>>) target(%dma_start3A_78 : memref<128x128xf32, #tpu.memory_space<hbm>>) target_semaphore(%arg16 : memref<!tpu.dma_semaphore, #tpu.memory_space<semaphore_mem>>)
      %mul3A_79 = arith.constant 5 : i32
      %mul3A_80 = arith.muli %scan3A_61, %mul3A_79 : i32
      %add3A_81 = arith.constant 1 : i32
      %add3A_82 = arith.addi %mul3A_80, %add3A_81 : i32
      %mul3A_83 = arith.constant 128 : i32
      %mul3A_84 = arith.muli %add3A_82, %mul3A_83 : i32
      %dma_wait3A_85 = tpu.memref_slice %arg5[%mul3A_84] : memref<6400xi32, #tpu.memory_space<vmem>> -> memref<128xi32, #tpu.memory_space<vmem>>
      %dma_wait3A_86 = arith.constant 0 : i32
      %dma_wait3A_87 = arith.constant 0 : i32
      %dma_wait3A_88 = tpu.memref_slice %arg2[%dma_wait3A_86, %dma_wait3A_87] : memref<100000x128xf32, #tpu.memory_space<hbm>> -> memref<100000x128xf32, #tpu.memory_space<hbm>>
      tpu.wait_indirect_dma semaphore(%arg12 : memref<!tpu.dma_semaphore, #tpu.memory_space<semaphore_mem>>) src(%dma_wait3A_88 : memref<100000x128xf32, #tpu.memory_space<hbm>>) dst(%arg7 : memref<128x128xf32, #tpu.memory_space<vmem>>)
      %mul3A_89 = arith.constant 128 : i32
      %mul3A_90 = arith.muli %add3A_82, %mul3A_89 : i32
      %add3A_91 = arith.addi %mul3A_2, %mul3A_90 : i32
      %dma_start3A_92 = arith.constant 0 : i32
      %dma_start3A_93 = tpu.memref_slice %arg4[%add3A_91, %dma_start3A_92] : memref<204800x128xf32, #tpu.memory_space<hbm>> -> memref<128x128xf32, #tpu.memory_space<hbm>>
      %dma_start3A_94 = arith.constant 0 : i32
      %dma_start3A_95 = tpu.memref_slice %arg4[%add3A_91, %dma_start3A_94] : memref<204800x128xf32, #tpu.memory_space<hbm>> -> memref<128x128xf32, #tpu.memory_space<hbm>>
      tpu.enqueue_dma source(%arg7 : memref<128x128xf32, #tpu.memory_space<vmem>>) target(%dma_start3A_95 : memref<128x128xf32, #tpu.memory_space<hbm>>) target_semaphore(%arg17 : memref<!tpu.dma_semaphore, #tpu.memory_space<semaphore_mem>>)
      %mul3A_96 = arith.constant 5 : i32
      %mul3A_97 = arith.muli %scan3A_61, %mul3A_96 : i32
      %add3A_98 = arith.constant 2 : i32
      %add3A_99 = arith.addi %mul3A_97, %add3A_98 : i32
      %mul3A_100 = arith.constant 128 : i32
      %mul3A_101 = arith.muli %add3A_99, %mul3A_100 : i32
      %dma_wait3A_102 = tpu.memref_slice %arg5[%mul3A_101] : memref<6400xi32, #tpu.memory_space<vmem>> -> memref<128xi32, #tpu.memory_space<vmem>>
      %dma_wait3A_103 = arith.constant 0 : i32
      %dma_wait3A_104 = arith.constant 0 : i32
      %dma_wait3A_105 = tpu.memref_slice %arg2[%dma_wait3A_103, %dma_wait3A_104] : memref<100000x128xf32, #tpu.memory_space<hbm>> -> memref<100000x128xf32, #tpu.memory_space<hbm>>
      tpu.wait_indirect_dma semaphore(%arg13 : memref<!tpu.dma_semaphore, #tpu.memory_space<semaphore_mem>>) src(%dma_wait3A_105 : memref<100000x128xf32, #tpu.memory_space<hbm>>) dst(%arg8 : memref<128x128xf32, #tpu.memory_space<vmem>>)
      %mul3A_106 = arith.constant 128 : i32
      %mul3A_107 = arith.muli %add3A_99, %mul3A_106 : i32
      %add3A_108 = arith.addi %mul3A_2, %mul3A_107 : i32
      %dma_start3A_109 = arith.constant 0 : i32
      %dma_start3A_110 = tpu.memref_slice %arg4[%add3A_108, %dma_start3A_109] : memref<204800x128xf32, #tpu.memory_space<hbm>> -> memref<128x128xf32, #tpu.memory_space<hbm>>
      %dma_start3A_111 = arith.constant 0 : i32
      %dma_start3A_112 = tpu.memref_slice %arg4[%add3A_108, %dma_start3A_111] : memref<204800x128xf32, #tpu.memory_space<hbm>> -> memref<128x128xf32, #tpu.memory_space<hbm>>
      tpu.enqueue_dma source(%arg8 : memref<128x128xf32, #tpu.memory_space<vmem>>) target(%dma_start3A_112 : memref<128x128xf32, #tpu.memory_space<hbm>>) target_semaphore(%arg18 : memref<!tpu.dma_semaphore, #tpu.memory_space<semaphore_mem>>)
      %mul3A_113 = arith.constant 5 : i32
      %mul3A_114 = arith.muli %scan3A_61, %mul3A_113 : i32
      %add3A_115 = arith.constant 3 : i32
      %add3A_116 = arith.addi %mul3A_114, %add3A_115 : i32
      %mul3A_117 = arith.constant 128 : i32
      %mul3A_118 = arith.muli %add3A_116, %mul3A_117 : i32
      %dma_wait3A_119 = tpu.memref_slice %arg5[%mul3A_118] : memref<6400xi32, #tpu.memory_space<vmem>> -> memref<128xi32, #tpu.memory_space<vmem>>
      %dma_wait3A_120 = arith.constant 0 : i32
      %dma_wait3A_121 = arith.constant 0 : i32
      %dma_wait3A_122 = tpu.memref_slice %arg2[%dma_wait3A_120, %dma_wait3A_121] : memref<100000x128xf32, #tpu.memory_space<hbm>> -> memref<100000x128xf32, #tpu.memory_space<hbm>>
      tpu.wait_indirect_dma semaphore(%arg14 : memref<!tpu.dma_semaphore, #tpu.memory_space<semaphore_mem>>) src(%dma_wait3A_122 : memref<100000x128xf32, #tpu.memory_space<hbm>>) dst(%arg9 : memref<128x128xf32, #tpu.memory_space<vmem>>)
      %mul3A_123 = arith.constant 128 : i32
      %mul3A_124 = arith.muli %add3A_116, %mul3A_123 : i32
      %add3A_125 = arith.addi %mul3A_2, %mul3A_124 : i32
      %dma_start3A_126 = arith.constant 0 : i32
      %dma_start3A_127 = tpu.memref_slice %arg4[%add3A_125, %dma_start3A_126] : memref<204800x128xf32, #tpu.memory_space<hbm>> -> memref<128x128xf32, #tpu.memory_space<hbm>>
      %dma_start3A_128 = arith.constant 0 : i32
      %dma_start3A_129 = tpu.memref_slice %arg4[%add3A_125, %dma_start3A_128] : memref<204800x128xf32, #tpu.memory_space<hbm>> -> memref<128x128xf32, #tpu.memory_space<hbm>>
      tpu.enqueue_dma source(%arg9 : memref<128x128xf32, #tpu.memory_space<vmem>>) target(%dma_start3A_129 : memref<128x128xf32, #tpu.memory_space<hbm>>) target_semaphore(%arg19 : memref<!tpu.dma_semaphore, #tpu.memory_space<semaphore_mem>>)
      %mul3A_130 = arith.constant 5 : i32
      %mul3A_131 = arith.muli %scan3A_61, %mul3A_130 : i32
      %add3A_132 = arith.constant 4 : i32
      %add3A_133 = arith.addi %mul3A_131, %add3A_132 : i32
      %mul3A_134 = arith.constant 128 : i32
      %mul3A_135 = arith.muli %add3A_133, %mul3A_134 : i32
      %dma_wait3A_136 = tpu.memref_slice %arg5[%mul3A_135] : memref<6400xi32, #tpu.memory_space<vmem>> -> memref<128xi32, #tpu.memory_space<vmem>>
      %dma_wait3A_137 = arith.constant 0 : i32
      %dma_wait3A_138 = arith.constant 0 : i32
      %dma_wait3A_139 = tpu.memref_slice %arg2[%dma_wait3A_137, %dma_wait3A_138] : memref<100000x128xf32, #tpu.memory_space<hbm>> -> memref<100000x128xf32, #tpu.memory_space<hbm>>
      tpu.wait_indirect_dma semaphore(%arg15 : memref<!tpu.dma_semaphore, #tpu.memory_space<semaphore_mem>>) src(%dma_wait3A_139 : memref<100000x128xf32, #tpu.memory_space<hbm>>) dst(%arg10 : memref<128x128xf32, #tpu.memory_space<vmem>>)
      %mul3A_140 = arith.constant 128 : i32
      %mul3A_141 = arith.muli %add3A_133, %mul3A_140 : i32
      %add3A_142 = arith.addi %mul3A_2, %mul3A_141 : i32
      %dma_start3A_143 = arith.constant 0 : i32
      %dma_start3A_144 = tpu.memref_slice %arg4[%add3A_142, %dma_start3A_143] : memref<204800x128xf32, #tpu.memory_space<hbm>> -> memref<128x128xf32, #tpu.memory_space<hbm>>
      %dma_start3A_145 = arith.constant 0 : i32
      %dma_start3A_146 = tpu.memref_slice %arg4[%add3A_142, %dma_start3A_145] : memref<204800x128xf32, #tpu.memory_space<hbm>> -> memref<128x128xf32, #tpu.memory_space<hbm>>
      tpu.enqueue_dma source(%arg10 : memref<128x128xf32, #tpu.memory_space<vmem>>) target(%dma_start3A_146 : memref<128x128xf32, #tpu.memory_space<hbm>>) target_semaphore(%arg20 : memref<!tpu.dma_semaphore, #tpu.memory_space<semaphore_mem>>)
      %mul3A_147 = arith.constant 5 : i32
      %mul3A_148 = arith.muli %scan3A_61, %mul3A_147 : i32
      %add3A_149 = arith.constant 0 : i32
      %add3A_150 = arith.addi %mul3A_148, %add3A_149 : i32
      %add3A_151 = arith.constant 1 : i32
      %add3A_152 = arith.addi %scan3A_61, %add3A_151 : i32
      %lt3A = arith.constant 10 : i32
      %lt3A_153 = arith.cmpi slt, %add3A_152, %lt3A : i32
      %convert_element_type3A = arith.extui %lt3A_153 : i1 to i32
      %cond3A = arith.constant 0 : i32
      %cond3A_154 = arith.cmpi ne, %convert_element_type3A, %cond3A : i32
      scf.if %cond3A_154 {
        %mul3A_199 = arith.constant 128 : i32
        %mul3A_200 = arith.muli %add3A_150, %mul3A_199 : i32
        %add3A_201 = arith.addi %mul3A_2, %mul3A_200 : i32
        %dma_wait3A_202 = arith.constant 0 : i32
        %dma_wait3A_203 = tpu.memref_slice %arg4[%add3A_201, %dma_wait3A_202] : memref<204800x128xf32, #tpu.memory_space<hbm>> -> memref<128x128xf32, #tpu.memory_space<hbm>>
        %dma_wait3A_204 = arith.constant 0 : i32
        %dma_wait3A_205 = tpu.memref_slice %arg4[%add3A_201, %dma_wait3A_204] : memref<204800x128xf32, #tpu.memory_space<hbm>> -> memref<128x128xf32, #tpu.memory_space<hbm>>
        tpu.wait_dma2 semaphore(%arg16 : memref<!tpu.dma_semaphore, #tpu.memory_space<semaphore_mem>>) src(%arg6 : memref<128x128xf32, #tpu.memory_space<vmem>>) dst(%dma_wait3A_205 : memref<128x128xf32, #tpu.memory_space<hbm>>)
        %add3A_206 = arith.constant 5 : i32
        %add3A_207 = arith.addi %add3A_150, %add3A_206 : i32
        %mul3A_208 = arith.constant 128 : i32
        %mul3A_209 = arith.muli %add3A_207, %mul3A_208 : i32
        %dma_start3A_210 = tpu.memref_slice %arg5[%mul3A_209] : memref<6400xi32, #tpu.memory_space<vmem>> -> memref<128xi32, #tpu.memory_space<vmem>>
        %dma_start3A_211 = arith.constant 0 : i32
        %dma_start3A_212 = arith.constant 0 : i32
        %dma_start3A_213 = tpu.memref_slice %arg2[%dma_start3A_211, %dma_start3A_212] : memref<100000x128xf32, #tpu.memory_space<hbm>> -> memref<100000x128xf32, #tpu.memory_space<hbm>>
        tpu.enqueue_indirect_dma source(%dma_start3A_213 : memref<100000x128xf32, #tpu.memory_space<hbm>>) target(%arg6 : memref<128x128xf32, #tpu.memory_space<vmem>>) offsets(%dma_start3A_210 : memref<128xi32, #tpu.memory_space<vmem>>) semaphore(%arg11 : memref<!tpu.dma_semaphore, #tpu.memory_space<semaphore_mem>>)
      } else {
      }
      %mul3A_155 = arith.constant 5 : i32
      %mul3A_156 = arith.muli %scan3A_61, %mul3A_155 : i32
      %add3A_157 = arith.constant 1 : i32
      %add3A_158 = arith.addi %mul3A_156, %add3A_157 : i32
      %add3A_159 = arith.constant 1 : i32
      %add3A_160 = arith.addi %scan3A_61, %add3A_159 : i32
      %lt3A_161 = arith.constant 10 : i32
      %lt3A_162 = arith.cmpi slt, %add3A_160, %lt3A_161 : i32
      %convert_element_type3A_163 = arith.extui %lt3A_162 : i1 to i32
      %cond3A_164 = arith.constant 0 : i32
      %cond3A_165 = arith.cmpi ne, %convert_element_type3A_163, %cond3A_164 : i32
      scf.if %cond3A_165 {
        %mul3A_199 = arith.constant 128 : i32
        %mul3A_200 = arith.muli %add3A_158, %mul3A_199 : i32
        %add3A_201 = arith.addi %mul3A_2, %mul3A_200 : i32
        %dma_wait3A_202 = arith.constant 0 : i32
        %dma_wait3A_203 = tpu.memref_slice %arg4[%add3A_201, %dma_wait3A_202] : memref<204800x128xf32, #tpu.memory_space<hbm>> -> memref<128x128xf32, #tpu.memory_space<hbm>>
        %dma_wait3A_204 = arith.constant 0 : i32
        %dma_wait3A_205 = tpu.memref_slice %arg4[%add3A_201, %dma_wait3A_204] : memref<204800x128xf32, #tpu.memory_space<hbm>> -> memref<128x128xf32, #tpu.memory_space<hbm>>
        tpu.wait_dma2 semaphore(%arg17 : memref<!tpu.dma_semaphore, #tpu.memory_space<semaphore_mem>>) src(%arg7 : memref<128x128xf32, #tpu.memory_space<vmem>>) dst(%dma_wait3A_205 : memref<128x128xf32, #tpu.memory_space<hbm>>)
        %add3A_206 = arith.constant 5 : i32
        %add3A_207 = arith.addi %add3A_158, %add3A_206 : i32
        %mul3A_208 = arith.constant 128 : i32
        %mul3A_209 = arith.muli %add3A_207, %mul3A_208 : i32
        %dma_start3A_210 = tpu.memref_slice %arg5[%mul3A_209] : memref<6400xi32, #tpu.memory_space<vmem>> -> memref<128xi32, #tpu.memory_space<vmem>>
        %dma_start3A_211 = arith.constant 0 : i32
        %dma_start3A_212 = arith.constant 0 : i32
        %dma_start3A_213 = tpu.memref_slice %arg2[%dma_start3A_211, %dma_start3A_212] : memref<100000x128xf32, #tpu.memory_space<hbm>> -> memref<100000x128xf32, #tpu.memory_space<hbm>>
        tpu.enqueue_indirect_dma source(%dma_start3A_213 : memref<100000x128xf32, #tpu.memory_space<hbm>>) target(%arg7 : memref<128x128xf32, #tpu.memory_space<vmem>>) offsets(%dma_start3A_210 : memref<128xi32, #tpu.memory_space<vmem>>) semaphore(%arg12 : memref<!tpu.dma_semaphore, #tpu.memory_space<semaphore_mem>>)
      } else {
      }
      %mul3A_166 = arith.constant 5 : i32
      %mul3A_167 = arith.muli %scan3A_61, %mul3A_166 : i32
      %add3A_168 = arith.constant 2 : i32
      %add3A_169 = arith.addi %mul3A_167, %add3A_168 : i32
      %add3A_170 = arith.constant 1 : i32
      %add3A_171 = arith.addi %scan3A_61, %add3A_170 : i32
      %lt3A_172 = arith.constant 10 : i32
      %lt3A_173 = arith.cmpi slt, %add3A_171, %lt3A_172 : i32
      %convert_element_type3A_174 = arith.extui %lt3A_173 : i1 to i32
      %cond3A_175 = arith.constant 0 : i32
      %cond3A_176 = arith.cmpi ne, %convert_element_type3A_174, %cond3A_175 : i32
      scf.if %cond3A_176 {
        %mul3A_199 = arith.constant 128 : i32
        %mul3A_200 = arith.muli %add3A_169, %mul3A_199 : i32
        %add3A_201 = arith.addi %mul3A_2, %mul3A_200 : i32
        %dma_wait3A_202 = arith.constant 0 : i32
        %dma_wait3A_203 = tpu.memref_slice %arg4[%add3A_201, %dma_wait3A_202] : memref<204800x128xf32, #tpu.memory_space<hbm>> -> memref<128x128xf32, #tpu.memory_space<hbm>>
        %dma_wait3A_204 = arith.constant 0 : i32
        %dma_wait3A_205 = tpu.memref_slice %arg4[%add3A_201, %dma_wait3A_204] : memref<204800x128xf32, #tpu.memory_space<hbm>> -> memref<128x128xf32, #tpu.memory_space<hbm>>
        tpu.wait_dma2 semaphore(%arg18 : memref<!tpu.dma_semaphore, #tpu.memory_space<semaphore_mem>>) src(%arg8 : memref<128x128xf32, #tpu.memory_space<vmem>>) dst(%dma_wait3A_205 : memref<128x128xf32, #tpu.memory_space<hbm>>)
        %add3A_206 = arith.constant 5 : i32
        %add3A_207 = arith.addi %add3A_169, %add3A_206 : i32
        %mul3A_208 = arith.constant 128 : i32
        %mul3A_209 = arith.muli %add3A_207, %mul3A_208 : i32
        %dma_start3A_210 = tpu.memref_slice %arg5[%mul3A_209] : memref<6400xi32, #tpu.memory_space<vmem>> -> memref<128xi32, #tpu.memory_space<vmem>>
        %dma_start3A_211 = arith.constant 0 : i32
        %dma_start3A_212 = arith.constant 0 : i32
        %dma_start3A_213 = tpu.memref_slice %arg2[%dma_start3A_211, %dma_start3A_212] : memref<100000x128xf32, #tpu.memory_space<hbm>> -> memref<100000x128xf32, #tpu.memory_space<hbm>>
        tpu.enqueue_indirect_dma source(%dma_start3A_213 : memref<100000x128xf32, #tpu.memory_space<hbm>>) target(%arg8 : memref<128x128xf32, #tpu.memory_space<vmem>>) offsets(%dma_start3A_210 : memref<128xi32, #tpu.memory_space<vmem>>) semaphore(%arg13 : memref<!tpu.dma_semaphore, #tpu.memory_space<semaphore_mem>>)
      } else {
      }
      %mul3A_177 = arith.constant 5 : i32
      %mul3A_178 = arith.muli %scan3A_61, %mul3A_177 : i32
      %add3A_179 = arith.constant 3 : i32
      %add3A_180 = arith.addi %mul3A_178, %add3A_179 : i32
      %add3A_181 = arith.constant 1 : i32
      %add3A_182 = arith.addi %scan3A_61, %add3A_181 : i32
      %lt3A_183 = arith.constant 10 : i32
      %lt3A_184 = arith.cmpi slt, %add3A_182, %lt3A_183 : i32
      %convert_element_type3A_185 = arith.extui %lt3A_184 : i1 to i32
      %cond3A_186 = arith.constant 0 : i32
      %cond3A_187 = arith.cmpi ne, %convert_element_type3A_185, %cond3A_186 : i32
      scf.if %cond3A_187 {
        %mul3A_199 = arith.constant 128 : i32
        %mul3A_200 = arith.muli %add3A_180, %mul3A_199 : i32
        %add3A_201 = arith.addi %mul3A_2, %mul3A_200 : i32
        %dma_wait3A_202 = arith.constant 0 : i32
        %dma_wait3A_203 = tpu.memref_slice %arg4[%add3A_201, %dma_wait3A_202] : memref<204800x128xf32, #tpu.memory_space<hbm>> -> memref<128x128xf32, #tpu.memory_space<hbm>>
        %dma_wait3A_204 = arith.constant 0 : i32
        %dma_wait3A_205 = tpu.memref_slice %arg4[%add3A_201, %dma_wait3A_204] : memref<204800x128xf32, #tpu.memory_space<hbm>> -> memref<128x128xf32, #tpu.memory_space<hbm>>
        tpu.wait_dma2 semaphore(%arg19 : memref<!tpu.dma_semaphore, #tpu.memory_space<semaphore_mem>>) src(%arg9 : memref<128x128xf32, #tpu.memory_space<vmem>>) dst(%dma_wait3A_205 : memref<128x128xf32, #tpu.memory_space<hbm>>)
        %add3A_206 = arith.constant 5 : i32
        %add3A_207 = arith.addi %add3A_180, %add3A_206 : i32
        %mul3A_208 = arith.constant 128 : i32
        %mul3A_209 = arith.muli %add3A_207, %mul3A_208 : i32
        %dma_start3A_210 = tpu.memref_slice %arg5[%mul3A_209] : memref<6400xi32, #tpu.memory_space<vmem>> -> memref<128xi32, #tpu.memory_space<vmem>>
        %dma_start3A_211 = arith.constant 0 : i32
        %dma_start3A_212 = arith.constant 0 : i32
        %dma_start3A_213 = tpu.memref_slice %arg2[%dma_start3A_211, %dma_start3A_212] : memref<100000x128xf32, #tpu.memory_space<hbm>> -> memref<100000x128xf32, #tpu.memory_space<hbm>>
        tpu.enqueue_indirect_dma source(%dma_start3A_213 : memref<100000x128xf32, #tpu.memory_space<hbm>>) target(%arg9 : memref<128x128xf32, #tpu.memory_space<vmem>>) offsets(%dma_start3A_210 : memref<128xi32, #tpu.memory_space<vmem>>) semaphore(%arg14 : memref<!tpu.dma_semaphore, #tpu.memory_space<semaphore_mem>>)
      } else {
      }
      %mul3A_188 = arith.constant 5 : i32
      %mul3A_189 = arith.muli %scan3A_61, %mul3A_188 : i32
      %add3A_190 = arith.constant 4 : i32
      %add3A_191 = arith.addi %mul3A_189, %add3A_190 : i32
      %add3A_192 = arith.constant 1 : i32
      %add3A_193 = arith.addi %scan3A_61, %add3A_192 : i32
      %lt3A_194 = arith.constant 10 : i32
      %lt3A_195 = arith.cmpi slt, %add3A_193, %lt3A_194 : i32
      %convert_element_type3A_196 = arith.extui %lt3A_195 : i1 to i32
      %cond3A_197 = arith.constant 0 : i32
      %cond3A_198 = arith.cmpi ne, %convert_element_type3A_196, %cond3A_197 : i32
      scf.if %cond3A_198 {
        %mul3A_199 = arith.constant 128 : i32
        %mul3A_200 = arith.muli %add3A_191, %mul3A_199 : i32
        %add3A_201 = arith.addi %mul3A_2, %mul3A_200 : i32
        %dma_wait3A_202 = arith.constant 0 : i32
        %dma_wait3A_203 = tpu.memref_slice %arg4[%add3A_201, %dma_wait3A_202] : memref<204800x128xf32, #tpu.memory_space<hbm>> -> memref<128x128xf32, #tpu.memory_space<hbm>>
        %dma_wait3A_204 = arith.constant 0 : i32
        %dma_wait3A_205 = tpu.memref_slice %arg4[%add3A_201, %dma_wait3A_204] : memref<204800x128xf32, #tpu.memory_space<hbm>> -> memref<128x128xf32, #tpu.memory_space<hbm>>
        tpu.wait_dma2 semaphore(%arg20 : memref<!tpu.dma_semaphore, #tpu.memory_space<semaphore_mem>>) src(%arg10 : memref<128x128xf32, #tpu.memory_space<vmem>>) dst(%dma_wait3A_205 : memref<128x128xf32, #tpu.memory_space<hbm>>)
        %add3A_206 = arith.constant 5 : i32
        %add3A_207 = arith.addi %add3A_191, %add3A_206 : i32
        %mul3A_208 = arith.constant 128 : i32
        %mul3A_209 = arith.muli %add3A_207, %mul3A_208 : i32
        %dma_start3A_210 = tpu.memref_slice %arg5[%mul3A_209] : memref<6400xi32, #tpu.memory_space<vmem>> -> memref<128xi32, #tpu.memory_space<vmem>>
        %dma_start3A_211 = arith.constant 0 : i32
        %dma_start3A_212 = arith.constant 0 : i32
        %dma_start3A_213 = tpu.memref_slice %arg2[%dma_start3A_211, %dma_start3A_212] : memref<100000x128xf32, #tpu.memory_space<hbm>> -> memref<100000x128xf32, #tpu.memory_space<hbm>>
        tpu.enqueue_indirect_dma source(%dma_start3A_213 : memref<100000x128xf32, #tpu.memory_space<hbm>>) target(%arg10 : memref<128x128xf32, #tpu.memory_space<vmem>>) offsets(%dma_start3A_210 : memref<128xi32, #tpu.memory_space<vmem>>) semaphore(%arg15 : memref<!tpu.dma_semaphore, #tpu.memory_space<semaphore_mem>>)
      } else {
      }
    }
    %scan3A_31 = arith.constant 10 : i32
    %add3A_32 = arith.constant 5760 : i32
    %add3A_33 = arith.addi %mul3A_2, %add3A_32 : i32
    %dma_wait3A = arith.constant 0 : i32
    %dma_wait3A_34 = tpu.memref_slice %arg4[%add3A_33, %dma_wait3A] : memref<204800x128xf32, #tpu.memory_space<hbm>> -> memref<128x128xf32, #tpu.memory_space<hbm>>
    %dma_wait3A_35 = arith.constant 0 : i32
    %dma_wait3A_36 = tpu.memref_slice %arg4[%add3A_33, %dma_wait3A_35] : memref<204800x128xf32, #tpu.memory_space<hbm>> -> memref<128x128xf32, #tpu.memory_space<hbm>>
    tpu.wait_dma2 semaphore(%arg16 : memref<!tpu.dma_semaphore, #tpu.memory_space<semaphore_mem>>) src(%arg6 : memref<128x128xf32, #tpu.memory_space<vmem>>) dst(%dma_wait3A_36 : memref<128x128xf32, #tpu.memory_space<hbm>>)
    %add3A_37 = arith.constant 5888 : i32
    %add3A_38 = arith.addi %mul3A_2, %add3A_37 : i32
    %dma_wait3A_39 = arith.constant 0 : i32
    %dma_wait3A_40 = tpu.memref_slice %arg4[%add3A_38, %dma_wait3A_39] : memref<204800x128xf32, #tpu.memory_space<hbm>> -> memref<128x128xf32, #tpu.memory_space<hbm>>
    %dma_wait3A_41 = arith.constant 0 : i32
    %dma_wait3A_42 = tpu.memref_slice %arg4[%add3A_38, %dma_wait3A_41] : memref<204800x128xf32, #tpu.memory_space<hbm>> -> memref<128x128xf32, #tpu.memory_space<hbm>>
    tpu.wait_dma2 semaphore(%arg17 : memref<!tpu.dma_semaphore, #tpu.memory_space<semaphore_mem>>) src(%arg7 : memref<128x128xf32, #tpu.memory_space<vmem>>) dst(%dma_wait3A_42 : memref<128x128xf32, #tpu.memory_space<hbm>>)
    %add3A_43 = arith.constant 6016 : i32
    %add3A_44 = arith.addi %mul3A_2, %add3A_43 : i32
    %dma_wait3A_45 = arith.constant 0 : i32
    %dma_wait3A_46 = tpu.memref_slice %arg4[%add3A_44, %dma_wait3A_45] : memref<204800x128xf32, #tpu.memory_space<hbm>> -> memref<128x128xf32, #tpu.memory_space<hbm>>
    %dma_wait3A_47 = arith.constant 0 : i32
    %dma_wait3A_48 = tpu.memref_slice %arg4[%add3A_44, %dma_wait3A_47] : memref<204800x128xf32, #tpu.memory_space<hbm>> -> memref<128x128xf32, #tpu.memory_space<hbm>>
    tpu.wait_dma2 semaphore(%arg18 : memref<!tpu.dma_semaphore, #tpu.memory_space<semaphore_mem>>) src(%arg8 : memref<128x128xf32, #tpu.memory_space<vmem>>) dst(%dma_wait3A_48 : memref<128x128xf32, #tpu.memory_space<hbm>>)
    %add3A_49 = arith.constant 6144 : i32
    %add3A_50 = arith.addi %mul3A_2, %add3A_49 : i32
    %dma_wait3A_51 = arith.constant 0 : i32
    %dma_wait3A_52 = tpu.memref_slice %arg4[%add3A_50, %dma_wait3A_51] : memref<204800x128xf32, #tpu.memory_space<hbm>> -> memref<128x128xf32, #tpu.memory_space<hbm>>
    %dma_wait3A_53 = arith.constant 0 : i32
    %dma_wait3A_54 = tpu.memref_slice %arg4[%add3A_50, %dma_wait3A_53] : memref<204800x128xf32, #tpu.memory_space<hbm>> -> memref<128x128xf32, #tpu.memory_space<hbm>>
    tpu.wait_dma2 semaphore(%arg19 : memref<!tpu.dma_semaphore, #tpu.memory_space<semaphore_mem>>) src(%arg9 : memref<128x128xf32, #tpu.memory_space<vmem>>) dst(%dma_wait3A_54 : memref<128x128xf32, #tpu.memory_space<hbm>>)
    %add3A_55 = arith.constant 6272 : i32
    %add3A_56 = arith.addi %mul3A_2, %add3A_55 : i32
    %dma_wait3A_57 = arith.constant 0 : i32
    %dma_wait3A_58 = tpu.memref_slice %arg4[%add3A_56, %dma_wait3A_57] : memref<204800x128xf32, #tpu.memory_space<hbm>> -> memref<128x128xf32, #tpu.memory_space<hbm>>
    %dma_wait3A_59 = arith.constant 0 : i32
    %dma_wait3A_60 = tpu.memref_slice %arg4[%add3A_56, %dma_wait3A_59] : memref<204800x128xf32, #tpu.memory_space<hbm>> -> memref<128x128xf32, #tpu.memory_space<hbm>>
    tpu.wait_dma2 semaphore(%arg20 : memref<!tpu.dma_semaphore, #tpu.memory_space<semaphore_mem>>) src(%arg10 : memref<128x128xf32, #tpu.memory_space<vmem>>) dst(%dma_wait3A_60 : memref<128x128xf32, #tpu.memory_space<hbm>>)
    return
  }
}

module attributes {stable_mosaic.version = 14 : i64} {
  func.func @_dense_body(%arg0: i32, %arg1: memref<4000x128xf32, #tpu.memory_space<vmem>>, %arg2: memref<4000x128xf32, #tpu.memory_space<vmem>>, %arg3: memref<4000x128xf32, #tpu.memory_space<vmem>>, %arg4: memref<256x128xf32, #tpu.memory_space<vmem>>, %arg5: memref<256x128xf32, #tpu.memory_space<vmem>>, %arg6: memref<256x128xf32, #tpu.memory_space<vmem>>, %arg7: memref<1x256xf32, #tpu.memory_space<vmem>>, %arg8: memref<128x128xf32, #tpu.memory_space<vmem>>, %arg9: memref<128x128xf32, #tpu.memory_space<vmem>>, %arg10: memref<4000x128xf32, #tpu.memory_space<vmem>>) attributes {dimension_semantics = [#tpu.dimension_semantics<arbitrary>], iteration_bounds = array<i64: 25>, scalar_prefetch = 0 : i64, scratch_operands = 0 : i64, tpu.core_type = #tpu.core_type<tc>, window_params = [{transform_indices = @transform_0, window_bounds = array<i64: 4000, 128>}, {transform_indices = @transform_1, window_bounds = array<i64: 4000, 128>}, {transform_indices = @transform_2, window_bounds = array<i64: 4000, 128>}, {pipeline_mode = #tpu.pipeline_mode<synchronous>, transform_indices = @transform_3, window_bounds = array<i64: 256, 128>}, {pipeline_mode = #tpu.pipeline_mode<synchronous>, transform_indices = @transform_4, window_bounds = array<i64: 256, 128>}, {pipeline_mode = #tpu.pipeline_mode<synchronous>, transform_indices = @transform_5, window_bounds = array<i64: 256, 128>}, {pipeline_mode = #tpu.pipeline_mode<synchronous>, transform_indices = @transform_6, window_bounds = array<i64: 1, 256>}, {pipeline_mode = #tpu.pipeline_mode<synchronous>, transform_indices = @transform_7, window_bounds = array<i64: 128, 128>}, {pipeline_mode = #tpu.pipeline_mode<synchronous>, transform_indices = @transform_8, window_bounds = array<i64: 128, 128>}, {transform_indices = @transform_9, window_bounds = array<i64: 4000, 128>}]} {
    %get3A = arith.constant 0 : index
    %get3A_0 = arith.constant 0 : index
    %get3A_1 = vector.load %arg2[%get3A, %get3A_0] : memref<4000x128xf32, #tpu.memory_space<vmem>>, vector<4000x128xf32>
    %get3A_2 = arith.constant 0 : index
    %get3A_3 = arith.constant 0 : index
    %get3A_4 = vector.load %arg3[%get3A_2, %get3A_3] : memref<4000x128xf32, #tpu.memory_space<vmem>>, vector<4000x128xf32>
    %get3A_5 = arith.constant 0 : index
    %get3A_6 = arith.constant 0 : index
    %get3A_7 = vector.load %arg1[%get3A_5, %get3A_6] : memref<4000x128xf32, #tpu.memory_space<vmem>>, vector<4000x128xf32>
    %get3A_8 = arith.constant 0 : index
    %get3A_9 = arith.constant 0 : index
    %get3A_10 = vector.load %arg4[%get3A_8, %get3A_9] : memref<256x128xf32, #tpu.memory_space<vmem>>, vector<256x128xf32>
    %dot_general3A = arith.constant dense<0.000000e+00> : vector<4000x256xf32>
    %dot_general3A_11 = tpu.matmul %get3A_7, %get3A_10, %dot_general3A {dimension_numbers = #tpu.dot_dimension_numbers<[1], [1], [0], [0], [0, 0, 1, 0], [], []>, transpose_lhs_hint = false} : vector<4000x128xf32>, vector<256x128xf32>, vector<4000x256xf32> -> vector<4000x256xf32>
    %get3A_12 = arith.constant 0 : index
    %get3A_13 = arith.constant 0 : index
    %get3A_14 = vector.load %arg5[%get3A_12, %get3A_13] : memref<256x128xf32, #tpu.memory_space<vmem>>, vector<256x128xf32>
    %dot_general3A_15 = arith.constant dense<0.000000e+00> : vector<4000x256xf32>
    %dot_general3A_16 = tpu.matmul %get3A_1, %get3A_14, %dot_general3A_15 {dimension_numbers = #tpu.dot_dimension_numbers<[1], [1], [0], [0], [0, 0, 1, 0], [], []>, transpose_lhs_hint = false} : vector<4000x128xf32>, vector<256x128xf32>, vector<4000x256xf32> -> vector<4000x256xf32>
    %add3A = arith.addf %dot_general3A_11, %dot_general3A_16 : vector<4000x256xf32>
    %get3A_17 = arith.constant 0 : index
    %get3A_18 = arith.constant 0 : index
    %get3A_19 = vector.load %arg6[%get3A_17, %get3A_18] : memref<256x128xf32, #tpu.memory_space<vmem>>, vector<256x128xf32>
    %dot_general3A_20 = arith.constant dense<0.000000e+00> : vector<4000x256xf32>
    %dot_general3A_21 = tpu.matmul %get3A_4, %get3A_19, %dot_general3A_20 {dimension_numbers = #tpu.dot_dimension_numbers<[1], [1], [0], [0], [0, 0, 1, 0], [], []>, transpose_lhs_hint = false} : vector<4000x128xf32>, vector<256x128xf32>, vector<4000x256xf32> -> vector<4000x256xf32>
    %add3A_22 = arith.addf %add3A, %dot_general3A_21 : vector<4000x256xf32>
    %get3A_23 = arith.constant 0 : index
    %get3A_24 = arith.constant 0 : index
    %get3A_25 = vector.load %arg7[%get3A_23, %get3A_24] : memref<1x256xf32, #tpu.memory_space<vmem>>, vector<1x256xf32>
    %add3A_26 = vector.broadcast %get3A_25 : vector<1x256xf32> to vector<4000x256xf32>
    %add3A_27 = arith.addf %add3A_22, %add3A_26 : vector<4000x256xf32>
    %slice3A = vector.extract_strided_slice %add3A_27 {offsets = [0, 0], sizes = [4000, 128], strides = [1, 1]} : vector<4000x256xf32> to vector<4000x128xf32>
    %logistic3A = arith.negf %slice3A : vector<4000x128xf32>
    %logistic3A_28 = math.exp %logistic3A : vector<4000x128xf32>
    %logistic3A_29 = arith.constant 1.000000e+00 : f32
    %logistic3A_30 = vector.broadcast %logistic3A_29 : f32 to vector<4000x128xf32>
    %logistic3A_31 = arith.addf %logistic3A_30, %logistic3A_28 : vector<4000x128xf32>
    %logistic3A_32 = arith.divf %logistic3A_30, %logistic3A_31 : vector<4000x128xf32>
    %slice3A_33 = vector.extract_strided_slice %add3A_27 {offsets = [0, 128], sizes = [4000, 128], strides = [1, 1]} : vector<4000x256xf32> to vector<4000x128xf32>
    %tanh3A = math.tanh %slice3A_33 : vector<4000x128xf32>
    %get3A_34 = arith.constant 0 : index
    %get3A_35 = arith.constant 0 : index
    %get3A_36 = vector.load %arg8[%get3A_34, %get3A_35] : memref<128x128xf32, #tpu.memory_space<vmem>>, vector<128x128xf32>
    %dot_general3A_37 = arith.constant dense<0.000000e+00> : vector<4000x128xf32>
    %dot_general3A_38 = tpu.matmul %get3A_1, %get3A_36, %dot_general3A_37 {dimension_numbers = #tpu.dot_dimension_numbers<[1], [1], [0], [0], [0, 0, 1, 0], [], []>, transpose_lhs_hint = false} : vector<4000x128xf32>, vector<128x128xf32>, vector<4000x128xf32> -> vector<4000x128xf32>
    %get3A_39 = arith.constant 0 : index
    %get3A_40 = arith.constant 0 : index
    %get3A_41 = vector.load %arg9[%get3A_39, %get3A_40] : memref<128x128xf32, #tpu.memory_space<vmem>>, vector<128x128xf32>
    %dot_general3A_42 = arith.constant dense<0.000000e+00> : vector<4000x128xf32>
    %dot_general3A_43 = tpu.matmul %get3A_4, %get3A_41, %dot_general3A_42 {dimension_numbers = #tpu.dot_dimension_numbers<[1], [1], [0], [0], [0, 0, 1, 0], [], []>, transpose_lhs_hint = false} : vector<4000x128xf32>, vector<128x128xf32>, vector<4000x128xf32> -> vector<4000x128xf32>
    %add3A_44 = arith.addf %dot_general3A_38, %dot_general3A_43 : vector<4000x128xf32>
    %mul3A = arith.mulf %tanh3A, %logistic3A_32 : vector<4000x128xf32>
    %sub3A = arith.constant 1.000000e+00 : f32
    %sub3A_45 = vector.broadcast %sub3A : f32 to vector<4000x128xf32>
    %sub3A_46 = arith.subf %sub3A_45, %logistic3A_32 : vector<4000x128xf32>
    %mul3A_47 = arith.mulf %sub3A_46, %add3A_44 : vector<4000x128xf32>
    %add3A_48 = arith.addf %mul3A, %mul3A_47 : vector<4000x128xf32>
    %swap3A = arith.constant 0 : index
    %swap3A_49 = arith.constant 0 : index
    %swap3A_50 = vector.load %arg10[%swap3A, %swap3A_49] : memref<4000x128xf32, #tpu.memory_space<vmem>>, vector<4000x128xf32>
    tpu.vector_store %arg10[%swap3A, %swap3A_49], %add3A_48 {strides = array<i32>} : memref<4000x128xf32, #tpu.memory_space<vmem>>, vector<4000x128xf32>,
    return
  }
  func.func @transform_0(%arg0: i32) -> (i32, i32) {
    %c0_i32 = arith.constant 0 : i32
    %c0_i32_0 = arith.constant 0 : i32
    return %arg0, %c0_i32 : i32, i32
  }
  func.func @transform_1(%arg0: i32) -> (i32, i32) {
    %c0_i32 = arith.constant 0 : i32
    %c0_i32_0 = arith.constant 0 : i32
    return %arg0, %c0_i32 : i32, i32
  }
  func.func @transform_2(%arg0: i32) -> (i32, i32) {
    %add3A = arith.constant 25 : i32
    %add3A_0 = arith.addi %arg0, %add3A : i32
    %c0_i32 = arith.constant 0 : i32
    %c0_i32_1 = arith.constant 0 : i32
    return %add3A_0, %c0_i32 : i32, i32
  }
  func.func @transform_3(%arg0: i32) -> (i32, i32) {
    %c0_i32 = arith.constant 0 : i32
    %c0_i32_0 = arith.constant 0 : i32
    %c0_i32_1 = arith.constant 0 : i32
    return %c0_i32, %c0_i32_0 : i32, i32
  }
  func.func @transform_4(%arg0: i32) -> (i32, i32) {
    %c0_i32 = arith.constant 0 : i32
    %c0_i32_0 = arith.constant 0 : i32
    %c0_i32_1 = arith.constant 0 : i32
    return %c0_i32, %c0_i32_0 : i32, i32
  }
  func.func @transform_5(%arg0: i32) -> (i32, i32) {
    %c0_i32 = arith.constant 0 : i32
    %c0_i32_0 = arith.constant 0 : i32
    %c0_i32_1 = arith.constant 0 : i32
    return %c0_i32, %c0_i32_0 : i32, i32
  }
  func.func @transform_6(%arg0: i32) -> (i32, i32) {
    %c0_i32 = arith.constant 0 : i32
    %c0_i32_0 = arith.constant 0 : i32
    %c0_i32_1 = arith.constant 0 : i32
    return %c0_i32, %c0_i32_0 : i32, i32
  }
  func.func @transform_7(%arg0: i32) -> (i32, i32) {
    %c0_i32 = arith.constant 0 : i32
    %c0_i32_0 = arith.constant 0 : i32
    %c0_i32_1 = arith.constant 0 : i32
    return %c0_i32, %c0_i32_0 : i32, i32
  }
  func.func @transform_8(%arg0: i32) -> (i32, i32) {
    %c0_i32 = arith.constant 0 : i32
    %c0_i32_0 = arith.constant 0 : i32
    %c0_i32_1 = arith.constant 0 : i32
    return %c0_i32, %c0_i32_0 : i32, i32
  }
  func.func @transform_9(%arg0: i32) -> (i32, i32) {
    %c0_i32 = arith.constant 0 : i32
    %c0_i32_0 = arith.constant 0 : i32
    return %arg0, %c0_i32 : i32, i32
  }
}

</mosaic_0001>

<sc_bundles>
// kernel: kernel.4.cloned.1.call-start
scs
__scs_entry_jumppad:
0x0: {  	(pc) =	sbr.rel $0x88, $3  }
0x1: {  	(tag) =	ssettag $0x0;
	lr =	simm.s32 $0x1  }
0x2: {  	[smem:$0x3F9A] =	sst lr;
	_ =	strace $0xD0000000  }
0x3: {  	_ = 	snop  }
0x4: {  	_ = 	snop  }
0x5: {  	_ = 	snop  }
0x6: {  	_ = 	snop  }
0x7: {  	_ = 	snop  }
__scs_overlays_trampoline_lowered:
0x8: {  	[smem:$0x3FA9] =	sst s0  }
0x9: {  	[smem:$0x3FAA] =	sst s1  }
0xa: {  	[smem:$0x3FAB] =	sst s2  }
0xb: {  	[smem:$0x3FAC] =	sst s3  }
0xc: {  	[smem:$0x3FAD] =	sst s4  }
0xd: {  	[smem:$0x3FAE] =	sst s5  }
0xe: {  	[smem:$0x3FAF] =	sst s6  }
0xf: {  	[smem:$0x3FB0] =	sst s7  }
0x10: {  	[smem:$0x3FB1] =	sst s8  }
0x11: {  	[smem:$0x3FB2] =	sst s9;
	s0 =	simm.s32 @!p0 $0x0  }
0x12: {  	s1 =	sld [smem:$0x3F98];
	s0 =	simm.s32 @p0 $0x1  }
0x13: {  	[smem:$0x3FB3] =	sst s0;
	s0 =	simm.s32 @!p1 $0x0  }
0x14: {  	s2 =	sld [smem:$0x3F97];
	s0 =	simm.s32 @p1 $0x1  }
0x15: {  	[smem:$0x3FB4] =	sst s0;
	s0 =	simm.s32 @!p2 $0x0  }
0x16: {  	s3 =	sld [smem:$0x3FDB];
	s0 =	simm.s32 @p2 $0x1  }
0x17: {  	s4 =	simm.s32 $0x1BF5;
	[smem:$0x3FB6] =	sst s0  }
0x18: {  	s0 =	sld [smem:$0x3F99];
	_ =	swait.ge [sflag:s4], $0x0  }
0x19: {  	s7 =	sld [smem:$0x3F9A]  }
0x1a: {  	s8 =	sadd.s32 $0xFFFFE003, lr  }
0x1b: {  	s9 =	sadd.s32 $0xFFFFFEF7, lr;
	s5 =	simm.s32 $0xFFFFFFFF;
	p2 =	slt.u32 s8, $0xFFFFF086  }
0x1c: {  	p1 =	slt.u32 s9, $0xF7A;
	s5 =	simm.s32 @!p2 $0x0  }
0x1d: {  	s5 =	simm.s32 @p1 $0x1;
	p0 =	seq.s32 s7, s2  }
0x1e: {  	s7 =	smul.u32 @!p0 $0xF7A, s2;
	p2 =	seq.s32 @!p0 s5, $0x0  }
0x1f: {  	s9 =	smul.u32 $0xF7A, s1;
	s8 =	simm.s32 @!p0 $0x1BF5;
	p2 =	por !p2, p0  }
0x20: {  	[sflag:s8] =	ssyncset.s32 @!p0 $0xFFFFF086;
	s6 =	sadd.s32 @!p0 s3, s7;
	s7 =	simm.s32 @!p0 $0x108  }
0x21: {  	s3 =	sadd.s32 s3, s9;
	s6 =	sadd.s32 @!p0 $0x88, s6;
	s7 =	simm.s32 @p2 $0x1082  }
0x22: {  	[simem:s7], [sflag:s8] =	dma.local @!p0 [hbm:s6], $0xF7A  }
0x23: {  	s9 =	sor.u32 $0xD0000000, s2;
	s6 =	simm.s32 $0x108;
	_ =	swait.ge @!p0 [sflag:s8], $0x0  }
0x24: {  	s3 =	sadd.s32 $0x88, s3;
	s6 =	simm.s32 @!p1 $0x1082;
	[sflag:s4] =	ssyncset.s32 $0xFFFFF086  }
0x25: {  	[simem:s6], [sflag:s4] =	dma.local [hbm:s3], $0xF7A  }
0x26: {  	[smem:$0x3F9A] =	sst s1;
	(tag) =	ssettag s2;
	_ =	strace s9  }
0x27: {  	s1 =	sld [smem:$0x3FAA]  }
0x28: {  	s2 =	sld [smem:$0x3FAB]  }
0x29: {  	s4 =	sld [smem:$0x3FAD]  }
0x2a: {  	p0 =	seq.s32 s5, $0x0;
	s5 =	sld [smem:$0x3FAE]  }
0x2b: {  	s6 =	sld [smem:$0x3FAF]  }
0x2c: {  	s7 =	sld [smem:$0x3FB0]  }
0x2d: {  	s3 =	simm.s32 $0x108;
	s8 =	sld [smem:$0x3FB1]  }
0x2e: {  	s3 =	simm.s32 @!p0 $0x1082;
	s9 =	sld [smem:$0x3FB2]  }
0x2f: {  	lr =	sadd.s32 s0, s3;
	s0 =	sld [smem:$0x3FA9]  }
0x30: {  	s3 =	sld [smem:$0x3FAC]  }
0x31: {  	[smem:$0x3FB5] =	sst s10  }
0x32: {  	s10 =	sld [smem:$0x3FB3];
	_ =	sdelay $0x3  }
0x33: {  	p0 =	seq.s32 s10, $0x1;
	s10 =	sld [smem:$0x3FB5];
	_ =	sdelay $0x3  }
0x34: {  	[smem:$0x3FB5] =	sst s10  }
0x35: {  	s10 =	sld [smem:$0x3FB4];
	_ =	sdelay $0x3  }
0x36: {  	p1 =	seq.s32 s10, $0x1;
	s10 =	sld [smem:$0x3FB5];
	_ =	sdelay $0x3  }
0x37: {  	[smem:$0x3FB5] =	sst s10  }
0x38: {  	s10 =	sld [smem:$0x3FB6]  }
0x39: {  	_ = 	snop;
	(pc) =	sbr.ind lr, $3  }
0x3a: {  	_ = 	snop  }
0x3b: {  	_ = 	snop  }
0x3c: {  	p2 =	seq.s32 s10, $0x1;
	s10 =	sld [smem:$0x3FB5]  }
0x3d: {  	_ =	shalt  }
0x3e: {  	_ =	shalt  }
0x3f: {  	_ =	shalt  }
0x40: {  	_ =	shalt  }
0x41: {  	_ =	shalt  }
0x42: {  	_ =	shalt  }
0x43: {  	_ =	shalt  }
0x44: {  	_ =	shalt  }
0x45: {  	_ =	shalt  }
0x46: {  	_ =	shalt  }
0x47: {  	_ =	shalt  }
0x48: {  	_ =	shalt  }
0x49: {  	_ =	shalt  }
0x4a: {  	_ =	shalt  }
0x4b: {  	_ =	shalt  }
0x4c: {  	_ =	shalt  }
0x4d: {  	_ =	shalt  }
0x4e: {  	_ =	shalt  }
0x4f: {  	_ =	shalt  }
0x50: {  	_ =	shalt  }
0x51: {  	_ =	shalt  }
0x52: {  	_ =	shalt  }
0x53: {  	_ =	shalt  }
0x54: {  	_ =	shalt  }
0x55: {  	_ =	shalt  }
0x56: {  	_ =	shalt  }
0x57: {  	_ =	shalt  }
0x58: {  	_ =	shalt  }
0x59: {  	_ =	shalt  }
0x5a: {  	_ =	shalt  }
0x5b: {  	_ =	shalt  }
0x5c: {  	_ =	shalt  }
0x5d: {  	_ =	shalt  }
0x5e: {  	_ =	shalt  }
0x5f: {  	_ =	shalt  }
0x60: {  	_ =	shalt  }
0x61: {  	_ =	shalt  }
0x62: {  	_ =	shalt  }
0x63: {  	_ =	shalt  }
0x64: {  	_ =	shalt  }
0x65: {  	_ =	shalt  }
0x66: {  	_ =	shalt  }
0x67: {  	_ =	shalt  }
0x68: {  	_ =	shalt  }
0x69: {  	_ =	shalt  }
0x6a: {  	_ =	shalt  }
0x6b: {  	_ =	shalt  }
0x6c: {  	_ =	shalt  }
0x6d: {  	_ =	shalt  }
0x6e: {  	_ =	shalt  }
0x6f: {  	_ =	shalt  }
0x70: {  	_ =	shalt  }
0x71: {  	_ =	shalt  }
0x72: {  	_ =	shalt  }
0x73: {  	_ =	shalt  }
0x74: {  	_ =	shalt  }
0x75: {  	_ =	shalt  }
0x76: {  	_ =	shalt  }
0x77: {  	_ =	shalt  }
0x78: {  	_ =	shalt  }
0x79: {  	_ =	shalt  }
0x7a: {  	_ =	shalt  }
0x7b: {  	_ =	shalt  }
0x7c: {  	_ =	shalt  }
0x7d: {  	_ =	shalt  }
0x7e: {  	_ =	shalt  }
0x7f: {  	_ =	shalt  }
0x80: {  	_ =	shalt  }
0x81: {  	_ =	shalt  }
0x82: {  	_ =	shalt  }
0x83: {  	_ =	shalt  }
0x84: {  	_ =	shalt  }
0x85: {  	_ =	shalt  }
0x86: {  	_ =	shalt  }
0x87: {  	_ =	shalt  }
.Lfunc_end0:
.L_simem_size_0:
called_computation_lowered:
.L_overlay_start_0:
0x88: {  	s2 =	sld [smem:$0x3FD9]  }
0x89: {  	s3 =	sld [smem:$0x3FFE];
	_ =	sdelay $0x1  }
0x8a: {  	s1 =	srdreg.scid  }
0x8b: {  	s0 =	sand.u32 $0x1, s1  }
0x8c: {  	s17 =	sshll.u32 s0, $0xA;
	s2 =	sadd.s32 s3, s2  }
0x8d: {  	s2 =	sadd.s32 s2, s17  }
0x8e: {  	[smem:$0x3FC1] =	sst s2  }
0x8f: {  	_ = 	snop  }
0x90: {  	s2 =	sld [smem:$0x3FC8]  }
0x91: {  	s18 =	sld [smem:$0x3FD0];
	(tm) =	ssettm $0x1  }
0x92: {  	s4 =	sld [smem:$0x3FFB];
	_ =	sdelay $0x3  }
0x93: {  	_ =	strace s4  }
0x94: {  	s4 =	sld [smem:$0x3FFC];
	_ =	sdelay $0x3  }
0x95: {  	_ =	strace s4  }
0x96: {  	s4 =	sld [smem:$0x3FFD];
	_ =	sdelay $0x3  }
0x97: {  	_ =	strace s4  }
0x98: {  	_ =	strace $0x8FFFFFFF  }
0x99: {  	s19 =	sld [smem:$0x3FDB];
	_ =	sdelay $0x1  }
0x9a: {  	s5 =	simm.s32 $_scs_section_size  }
0x9b: {  	s6 =	simm.s32 $_size__tile_overlayer_lowered;
	s7 =	simm.s32 $_tile_overlayer_lowered  }
0x9c: {  	s22 =	simm.s32 $0x1BFF;
	s21 =	sshll.u32 s7, $0x1;
	s4 =	sadd.s32 s5, s19  }
0x9d: {  	s8 =	simm.s32 $0x0;
	s20 =	sshll.u32 s6, $0x1;
	s6 =	sadd.s32 s21, s4  }
0x9e: {  	[timem:s8], [sflag:s22] =	dma.local [hbm:s6], s20  }
0x9f: {  	_ =	swait.ge [sflag:s22], s20  }
0xa0: {  	s5 =	ssub.s32 $0x0, s20;
	[sflag:s22] =	ssyncset.done $0x0  }
0xa1: {  	[sflag:s22] =	ssyncadd.s32 s5;
	_ =	sdelay $0x1  }
0xa2: {  	s23 =	simm.s32 $0x1B8B  }
0xa3: {  	_ =	swait.ge [sflag:s23], $0x1  }
0xa4: {  	[sflag:s23] =	ssyncset.done $0x0  }
0xa5: {  	s25 =	simm.s32 $0x1B8E;
	s24 =	sld [smem:$0x3FFE];
	[sflag:s23] =	ssyncadd.s32 $0xFFFFFFFF  }
0xa6: {  	s26 =	simm.s32 $execute0_lowered;
	[smem:$0x3FD2] =	sst s25  }
0xa7: {  	s6 =	sshll.u32 s26, $0x1;
	_ =	strace $0x80000046;
	[dreg:$0x1] =	wrdreg $0xFFFFFFFF  }
0xa8: {  	s28 =	simm.s32 $_size_execute0_lowered;
	s4 =	sadd.s32 s4, s6;
	[dreg:$0x0] =	wrdreg $0x0  }
0xa9: {  	s6 =	sshll.u32 s28, $0x1;
	[dreg:$0x2] =	wrdreg s4  }
0xaa: {  	[dreg:$0x3] =	wrdreg s6  }
0xab: {  	[dreg:$0x4] =	wrdreg $0xC0  }
0xac: {  	_ =	task [dreg:s8], $0x5FFFF  }
0xad: {  	[dreg:$0x1] =	wrdreg $0xFFFFFFFF  }
0xae: {  	[dreg:$0x0] =	wrdreg $0x60  }
0xaf: {  	[dreg:$0x2] =	wrdreg s2  }
0xb0: {  	[dreg:$0x3] =	wrdreg s18  }
0xb1: {  	[dreg:$0x4] =	wrdreg s24  }
0xb2: {  	[dreg:$0x5] =	wrdreg $0x9  }
0xb3: {  	_ =	task.clear_ibuf [dreg:s8], $0x6FFFF;
	_ =	strace $0x90000046  }
0xb4: {  	s29 =	simm.s32 $0x9;
	_ =	strace $0x80000048  }
0xb5: {  	_ =	swait.ge [sflag:s29], $0x1  }
0xb6: {  	[sflag:s29] =	ssyncadd.s32 $0xFFFFFFFF  }
0xb7: {  	_ =	strace $0x90000048  }
0xb8: {  	_ =	sfence  }
0xb9: {  	s30 =	sld [smem:$0x0];
	_ =	sdelay $0x2  }
0xba: {  	s31 =	sshll.u32 s1, $0xD;
	s1 =	sshrl.u32 s1, $0x2  }
0xbb: {  	s3 =	sand.u32 $0x4000, s31;
	s1 =	sadd.s32 s1, s30  }
0xbc: {  	s0 =	sor.u32 s3, s0;
	s1 =	sshll.u32 s1, $0x11  }
0xbd: {  	s0 =	sor.u32 s1, s0  }
0xbe: {  	s0 =	sadd.s32 $0x8F2B, s0  }
0xbf: {  	[sflag:s0] =	ssyncadd.remote.s32 $0x1  }
0xc0: {  	_ =	sfence.sel $0xFFFF  }
0xc1: {  	[dreg:$0x0] =	wrdreg $0xFFFFFFFF;
	(pc) =	sbr.abs _section_cstart, $3  }
0xc2: {  	[dreg:$0x1] =	wrdreg $0xFFFFFFFF  }
0xc3: {  	_ =	task.clear_ibuf [dreg:s8], $0x2FFFF;
	_ =	strace $0x9FFFFFFF  }
0xc4: {  	(tm) =	ssettm $0x7FFFFFFF  }
0xc5: {  	_ =	shalt  }
tec
execute0_lowered:
.L_overlay_start_1:
0x0: {  	(tag) =	ssettag $0x1  }
0x1: {  	s1 =	rddreg [dreg:$0x0];
	s0 =	stileid.u32  }
0x2: {  	s2 =	srdreg.scid;
	s4 =	rddreg [dreg:$0x1]  }
0x3: {  	s6 =	rddreg [dreg:$0x2];
	s3 =	simm.s32 $0x0;
	s10 =	simm.s32 $0x5900  }
0x4: {  	s12 =	simm.s32 $0x9900;
	s13 =	simm.s32 $0x180;
	s14 =	simm.s32 $0xD900  }
0x5: {  	s15 =	simm.s32 $0x200;
	s16 =	simm.s32 $0x11900;
	s17 =	simm.s32 $0x1  }
0x6: {  	s18 =	simm.s32 $0x2;
	s19 =	simm.s32 $0x3;
	s20 =	simm.s32 $0x4  }
0x7: {  	s21 =	simm.s32 $0x5;
	s22 =	simm.s32 $0x6;
	s23 =	simm.s32 $0x7  }
0x8: {  	s24 =	simm.s32 $0x8;
	s25 =	simm.s32 $0x9;
	s26 =	simm.s32 $0xA  }
0x9: {  	s28 =	simm.s32 $0x0;
	s5 =	sand.u32 $0x1, s2;
	s30 =	sshll.u32 s0, $0x1  }
0xa: {  	s7 =	smul.u32 $0x32000, s0;
	[smem:$0x7FF] =	sst s3;
	s8 =	sor.u32 s5, s30  }
0xb: {  	s9 =	ssub.s32 $0x2, s5;
	s5 =	smul.u32 $0x19000, s5;
	_ =	strace $0x80000047  }
0xc: {  	s8 =	smul.u32 $0x1900, s8;
	s6 =	sadd.s32 s7, s6;
	s31 =	sshrl.u32 s9, $0x1  }
0xd: {  	s7 =	ssub.s32 s9, s31;
	s6 =	sadd.s32 s5, s6;
	s9 =	simm.s32 $0x1900  }
0xe: {  	s8 =	sshrl.u32 s8, $0x3;
	s5 =	smax.u32 s7, $0x1;
	s6 =	sadd.s32 $0x2800, s6  }
0xf: {  	s7 =	simm.s32 $0xB;
	s4 =	sadd.s32 s4, s8;
	s8 =	simm.s32 $0x80  }
.LBB2_1:
0x10: {  	[tilespmem:s3], [sflag:$0xB] =	stream.linear.gather [hbm4b:s4+s3], $0x1900, $0x38;
	[tilespmem:$0x15900] =	vst v63  }
0x11: {  	_ =	swait.ge [sflag:s7], $0x1900  }
0x12: {  	[sflag:s7] =	ssyncset.done $0x0  }
0x13: {  	[sflag:s7] =	ssyncadd.s32 $0xFFFFE700  }
0x14: {  	[tilespmem:s9], [sflag:$0x1] =	stream.indirect.gather [hbm4b:s1+s8], $0x80, s3, s8, $0xb8;
	[tilespmem:$0x15900] =	vst v63  }
0x15: {  	_ = 	snop  }
0x16: {  	[tilespmem:s10], [sflag:$0x2] =	stream.indirect.gather [hbm4b:s1+s8], $0x80, s8, s8, $0xb8;
	[tilespmem:$0x15900] =	vst v63  }
0x17: {  	s0 =	simm.s32 $0x100  }
0x18: {  	[tilespmem:s12], [sflag:$0x3] =	stream.indirect.gather [hbm4b:s1+s8], $0x80, s0, s8, $0xb8;
	[tilespmem:$0x15900] =	vst v63  }
0x19: {  	_ = 	snop  }
0x1a: {  	[tilespmem:s14], [sflag:$0x4] =	stream.indirect.gather [hbm4b:s1+s8], $0x80, s13, s8, $0xb8;
	[tilespmem:$0x15900] =	vst v63  }
0x1b: {  	s29 =	smov.u32 s6;
	s30 =	simm.s32 $0x0  }
0x1c: {  	[tilespmem:s16], [sflag:$0x5] =	stream.indirect.gather [hbm4b:s1+s8], $0x80, s15, s8, $0xb8;
	[tilespmem:$0x15900] =	vst v63  }
.LBB2_2:
0x1d: {  	_ =	swait.ge [sflag:s17], $0x4000  }
0x1e: {  	[sflag:s17] =	ssyncset.done $0x0  }
0x1f: {  	s31 =	sadd.s32 $0xFFFFE000, s29;
	[sflag:s17] =	ssyncadd.s32 $0xFFFFC000  }
0x20: {  	[hbm4b:s31+s3] =	stream.linear.scatter [tilespmem:s9], [sflag:$0x6], $0x4000, $0x38;
	[tilespmem:$0x15900] =	vst v63  }
0x21: {  	_ =	swait.ge [sflag:s18], $0x4000  }
0x22: {  	[sflag:s18] =	ssyncset.done $0x0  }
0x23: {  	s0 =	sadd.s32 $0xFFFFE800, s29;
	[sflag:s18] =	ssyncadd.s32 $0xFFFFC000  }
0x24: {  	[hbm4b:s0+s3] =	stream.linear.scatter [tilespmem:s10], [sflag:$0x7], $0x4000, $0x38;
	[tilespmem:$0x15900] =	vst v63  }
0x25: {  	_ =	swait.ge [sflag:s19], $0x4000  }
0x26: {  	[sflag:s19] =	ssyncset.done $0x0  }
0x27: {  	s2 =	sadd.s32 $0xFFFFF000, s29;
	[sflag:s19] =	ssyncadd.s32 $0xFFFFC000  }
0x28: {  	[hbm4b:s2+s3] =	stream.linear.scatter [tilespmem:s12], [sflag:$0x8], $0x4000, $0x38;
	[tilespmem:$0x15900] =	vst v63  }
0x29: {  	_ =	swait.ge [sflag:s20], $0x4000  }
0x2a: {  	[sflag:s20] =	ssyncset.done $0x0  }
0x2b: {  	s11 =	sadd.s32 $0xFFFFF800, s29;
	[sflag:s20] =	ssyncadd.s32 $0xFFFFC000  }
0x2c: {  	[hbm4b:s11+s3] =	stream.linear.scatter [tilespmem:s14], [sflag:$0x9], $0x4000, $0x38;
	[tilespmem:$0x15900] =	vst v63  }
0x2d: {  	_ =	swait.ge [sflag:s21], $0x4000  }
0x2e: {  	p0 =	seq.s32 s30, $0x5A00;
	[sflag:s21] =	ssyncset.done $0x0  }
0x2f: {  	s31 =	simm.s32 @!p0 $0x6;
	[sflag:s21] =	ssyncadd.s32 $0xFFFFC000  }
0x30: {  	[hbm4b:s29+s3] =	stream.linear.scatter [tilespmem:s16], [sflag:$0xA], $0x4000, $0x38;
	[tilespmem:$0x15900] =	vst v63  }
0x31: {  	_ =	swait.ge @!p0 [sflag:s31], $0x4000  }
0x32: {  	[sflag:s31] =	ssyncset.done @!p0 $0x0  }
0x33: {  	[sflag:s31] =	ssyncadd.s32 @!p0 $0xFFFFC000;
	s31 =	sshra.s32 @!p0 s30, $0x2  }
0x34: {  	s0 =	simm.s32 @!p0 $0x80;
	s11 =	simm.s32 @!p0 $0x1900;
	s2 =	sadd.s32 @!p0 $0x280, s31  }
0x35: {  	[tilespmem:s11], [sflag:$0x1] =	stream.indirect.gather @!p0 [hbm4b:s1+s0], $0x80, s2, s0, $0xb8;
	[tilespmem:$0x15900] =	vst v63  }
0x36: {  	s2 =	simm.s32 @!p0 $0x7  }
0x37: {  	_ =	swait.ge @!p0 [sflag:s2], $0x4000  }
0x38: {  	[sflag:s2] =	ssyncset.done @!p0 $0x0  }
0x39: {  	s11 =	simm.s32 @!p0 $0x5900;
	[sflag:s2] =	ssyncadd.s32 @!p0 $0xFFFFC000;
	s2 =	sadd.s32 @!p0 $0x300, s31  }
0x3a: {  	[tilespmem:s11], [sflag:$0x2] =	stream.indirect.gather @!p0 [hbm4b:s1+s0], $0x80, s2, s0, $0xb8;
	[tilespmem:$0x15900] =	vst v63  }
0x3b: {  	s2 =	simm.s32 @!p0 $0x8  }
0x3c: {  	_ =	swait.ge @!p0 [sflag:s2], $0x4000  }
0x3d: {  	[sflag:s2] =	ssyncset.done @!p0 $0x0  }
0x3e: {  	s11 =	simm.s32 @!p0 $0x9900;
	[sflag:s2] =	ssyncadd.s32 @!p0 $0xFFFFC000;
	s2 =	sadd.s32 @!p0 $0x380, s31  }
0x3f: {  	[tilespmem:s11], [sflag:$0x3] =	stream.indirect.gather @!p0 [hbm4b:s1+s0], $0x80, s2, s0, $0xb8;
	[tilespmem:$0x15900] =	vst v63  }
0x40: {  	s30 =	sadd.s32 @!p0 $0xA00, s30;
	s2 =	simm.s32 @!p0 $0x9  }
0x41: {  	p1 =	sne.s32 @!p0 s30, $0x6400;
	_ =	swait.ge @!p0 [sflag:s2], $0x4000  }
0x42: {  	p1 =	por p0, !p1;
	[sflag:s2] =	ssyncset.done @!p0 $0x0  }
0x43: {  	s11 =	simm.s32 @!p0 $0xD900;
	[sflag:s2] =	ssyncadd.s32 @!p0 $0xFFFFC000;
	s2 =	sadd.s32 @!p0 $0x400, s31  }
0x44: {  	[tilespmem:s11], [sflag:$0x4] =	stream.indirect.gather @!p0 [hbm4b:s1+s0], $0x80, s2, s0, $0xb8;
	[tilespmem:$0x15900] =	vst v63  }
.Ltmp0:
0x45: {  	s2 =	simm.s32 @!p0 $0xA;
	(pc) =	sbr.rel @!p1 .LBB2_2-.Ltmp0, $4  }
0x46: {  	_ =	swait.ge @!p0 [sflag:s2], $0x4000  }
0x47: {  	s29 =	sadd.s32 @!p0 $0x2800, s29;
	[sflag:s2] =	ssyncset.done @!p0 $0x0  }
0x48: {  	s11 =	simm.s32 @!p0 $0x11900;
	[sflag:s2] =	ssyncadd.s32 @!p0 $0xFFFFC000;
	s2 =	sadd.s32 @!p0 $0x480, s31  }
0x49: {  	[tilespmem:s11], [sflag:$0x5] =	stream.indirect.gather @!p0 [hbm4b:s1+s0], $0x80, s2, s0, $0xb8;
	[tilespmem:$0x15900] =	vst v63  }
0x4a: {  	_ =	swait.ge [sflag:s22], $0x4000  }
0x4b: {  	[sflag:s22] =	ssyncset.done $0x0  }
0x4c: {  	[sflag:s22] =	ssyncadd.s32 $0xFFFFC000  }
0x4d: {  	_ =	swait.ge [sflag:s23], $0x4000  }
0x4e: {  	[sflag:s23] =	ssyncset.done $0x0  }
0x4f: {  	[sflag:s23] =	ssyncadd.s32 $0xFFFFC000  }
0x50: {  	_ =	swait.ge [sflag:s24], $0x4000  }
0x51: {  	[sflag:s24] =	ssyncset.done $0x0  }
0x52: {  	s28 =	sadd.s32 $0x1, s28;
	[sflag:s24] =	ssyncadd.s32 $0xFFFFC000  }
0x53: {  	p0 =	sne.s32 s28, s5;
	_ =	swait.ge [sflag:s25], $0x4000  }
.Ltmp1:
0x54: {  	[sflag:s25] =	ssyncset.done $0x0;
	(pc) =	sbr.rel @p0 .LBB2_1-.Ltmp1, $4  }
0x55: {  	[sflag:s25] =	ssyncadd.s32 $0xFFFFC000  }
0x56: {  	_ =	swait.ge [sflag:s26], $0x4000  }
0x57: {  	[sflag:s26] =	ssyncset.done $0x0  }
0x58: {  	[sflag:s26] =	ssyncadd.s32 $0xFFFFC000  }
0x59: {  	_ =	sfence.sel $0x180000  }
0x5a: {  	[bflag:$0x0] =	sbarrier.arrive $0xFFFF  }
0x5b: {  	_ =	strace $0x90000047  }
0x5c: {  	s0 =	stileid.u32;
	[bflag:$0x2] =	sbarrier.arrive $0xFFFF  }
0x5d: {  	p0 =	sne.s32 s0, $0x0;
	s0 =	rddreg [dreg:$0x3]  }
0x5e: {  	s0 =	sadd.s32 @!p0 $0x100000, s0  }
0x5f: {  	[sflag:s0] =	ssyncadd.tile.s32 @!p0 $0x1;
	_ =	shalt  }
.Lfunc_end2:
_tile_overlayer_lowered:
.L_overlay_start_2:
0x60: {  	(tag) =	ssettag $0x2  }
0x61: {  	s0 =	rddreg [dreg:$0x0];
	s2 =	stileid.u32  }
0x62: {  	s1 =	rddreg [dreg:$0x1];
	p0 =	sne.s32 s2, $0x0  }
0x63: {  	s3 =	rddreg [dreg:$0x2];
	[bflag:$0x3] =	sbarrier.arrive $0xFFFF;
	s2 =	simm.s32 @!p0 $0x1C0B  }
0x64: {  	[timem:s3], [sflag:s2] =	dma.local @!p0 [hbm:s0], s1  }
0x65: {  	s0 =	simm.s32 @!p0 $0xB  }
0x66: {  	_ =	swait.ge @!p0 [sflag:s0], s1  }
0x67: {  	s1 =	ssub.s32 @!p0 $0x0, s1;
	[sflag:s0] =	ssyncset.done @!p0 $0x0  }
0x68: {  	[sflag:s0] =	ssyncadd.s32 @!p0 s1  }
0x69: {  	[bflag:$0x3] =	sbarrier.arrive $0xFFFF  }
0x6a: {  	_ =	shalt  }

</sc_bundles>
